<compile_context>
chip_gen: v7x
topology: tpu7x:2x2x1
jax: 0.10.2.dev20260603
libtpu: 0.0.44.dev20260713+nightly
codegen_flags: <defaults>
</compile_context>

<pallas_src>
import functools

import jax
import jax.numpy as jnp
from jax import lax
from jax.experimental import pallas as pl
from jax.experimental.pallas import tpu as pltpu
from jax.experimental.pallas import tpu_sc as plsc

BATCH = 4096
HIST = 50
EMB_DIM = 128

NUM_CORES = 2
NUM_SUBCORES = 16
NW = NUM_CORES * NUM_SUBCORES
PER_W = BATCH // NW
SETS = 5
NGROUP = HIST

_mesh = plsc.VectorSubcoreMesh(core_axis_name="c", subcore_axis_name="s")


@functools.partial(
    pl.kernel,
    out_type=jax.ShapeDtypeStruct((HIST, BATCH, EMB_DIM), jnp.float32),
    mesh=_mesh,
    scratch_types=[
        pltpu.VMEM((HIST, PER_W), jnp.int32),
        [pltpu.VMEM((PER_W, EMB_DIM), jnp.float32) for _ in range(SETS)],
        [pltpu.SemaphoreType.DMA for _ in range(2 * SETS)],
    ],
)
def _emb_gather(table_hbm, idx_hbm, out_hbm, idx_v, bufs, sems):
    wid = lax.axis_index("s") * NUM_CORES + lax.axis_index("c")
    base = pl.multiple_of(wid * PER_W, PER_W)
    gsems = sems[:SETS]
    psems = sems[SETS:]

    pltpu.sync_copy(idx_hbm.at[:, pl.ds(base, PER_W)], idx_v)

    def gather_copy(g, s):
        return pltpu.make_async_copy(
            table_hbm.at[idx_v.at[g]], bufs[s], gsems[s])

    def put_copy(g, s):
        return pltpu.make_async_copy(
            bufs[s], out_hbm.at[g, pl.ds(base, PER_W)], psems[s])

    for s in range(SETS):
        gather_copy(s, s).start()

    def body(u, carry):
        g0 = SETS * u
        for s in range(SETS):
            gather_copy(g0 + s, s).wait()
            gather_copy(g0 + s + SETS, s).start()
        return carry

    lax.fori_loop(0, NGROUP // SETS - 1, body, 0, unroll=False)

    gl = NGROUP - SETS
    for s in range(SETS):
        gather_copy(gl + s, s).wait()
        put_copy(gl + s, s).start()
    for s in range(SETS):
        put_copy(gl + s, s).wait()


def kernel(x, table):
    xt = x.T.astype(jnp.int32)
    out = _emb_gather(table, xt)
    return jnp.transpose(out, (1, 0, 2))

# --- scband reference (transcript-rebuilt; emitter-appended) ---
"""Pipeline reference for scband-word-embedding-343597383833 (READ-ONLY COPY).

The authoritative reference and input builder live on the scoring server;
editing this copy changes nothing except your own understanding.
"""

import jax, jax.numpy as jnp
import numpy as np

NTOKEN = 100000
EMB_DIM = 128
BATCH = 4096
HIST = 50

def setup_inputs(seed: int = 0) -> dict:
    key = jax.random.key(seed)
    k_idx, k_tab = jax.random.split(key)
    x = jax.random.randint(k_idx, (BATCH, HIST), 0, NTOKEN, dtype=jnp.int64 if jax.config.jax_enable_x64 else jnp.int32)
    # Embedding table of shape (ntoken + 1, emb_dim); last row is padding_idx and is zero,
    # matching nn.Embedding(padding_idx=ntoken) initialization semantics.
    table = jax.random.normal(k_tab, (NTOKEN + 1, EMB_DIM), dtype=jnp.float32)
    table = table.at[NTOKEN].set(0.0)
    return {"x": x, "table": table}

def reference(x, table):
    # WordEmbedding.forward with op='' and dropout=0.0 (eval): emb = self.emb(x)
    emb = jnp.take(table, x, axis=0)
    return emb

if __name__ == "__main__":
    import jax
    _d = setup_inputs()
    print(jax.jit(kernel)(*tuple(_d.values())))

</pallas_src>

<mosaic_0001>
#map = affine_map<(d0, d1) -> (0, 0)>
#map1 = affine_map<(d0, d1) -> (0, 0, 0)>
module attributes {stable_mosaic.version = 14 : i64} {
  func.func @_emb_gather(%arg0: i32, %arg1: i32, %arg2: memref<100001x128xf32, #tpu.memory_space<hbm>>, %arg3: memref<50x4096xi32, #tpu.memory_space<hbm>>, %arg4: memref<50x4096x128xf32, #tpu.memory_space<hbm>>, %arg5: memref<50x128xi32, #tpu.memory_space<vmem>>, %arg6: memref<128x128xf32, #tpu.memory_space<vmem>>, %arg7: memref<128x128xf32, #tpu.memory_space<vmem>>, %arg8: memref<128x128xf32, #tpu.memory_space<vmem>>, %arg9: memref<128x128xf32, #tpu.memory_space<vmem>>, %arg10: memref<128x128xf32, #tpu.memory_space<vmem>>, %arg11: memref<!tpu.dma_semaphore, #tpu.memory_space<semaphore_mem>>, %arg12: memref<!tpu.dma_semaphore, #tpu.memory_space<semaphore_mem>>, %arg13: memref<!tpu.dma_semaphore, #tpu.memory_space<semaphore_mem>>, %arg14: memref<!tpu.dma_semaphore, #tpu.memory_space<semaphore_mem>>, %arg15: memref<!tpu.dma_semaphore, #tpu.memory_space<semaphore_mem>>, %arg16: memref<!tpu.dma_semaphore, #tpu.memory_space<semaphore_mem>>, %arg17: memref<!tpu.dma_semaphore, #tpu.memory_space<semaphore_mem>>, %arg18: memref<!tpu.dma_semaphore, #tpu.memory_space<semaphore_mem>>, %arg19: memref<!tpu.dma_semaphore, #tpu.memory_space<semaphore_mem>>, %arg20: memref<!tpu.dma_semaphore, #tpu.memory_space<semaphore_mem>>) attributes {dimension_semantics = [#tpu.dimension_semantics<core_parallel>, #tpu.dimension_semantics<subcore_parallel>], iteration_bounds = array<i64: 2, 16>, scalar_prefetch = 0 : i64, scratch_operands = 16 : i64, tpu.core_type = #tpu.core_type<sc_vector_subcore>, window_params = [{transform_indices = #map}, {transform_indices = #map}, {transform_indices = #map1}]} {
    %mul3A = arith.constant 2 : i32
    %mul3A_0 = arith.muli %arg1, %mul3A : i32
    %add3A = arith.addi %mul3A_0, %arg0 : i32
    %mul3A_1 = arith.constant 128 : i32
    %mul3A_2 = arith.muli %add3A, %mul3A_1 : i32
    %multiple_of3A = tpu.assume_multiple %mul3A_2, 128 : i32
    "tpu.region"() ({
      %run_scoped3A = tpu.sem_alloc : memref<!tpu.dma_semaphore, #tpu.memory_space<semaphore_mem>>
      %dma_start3A_146 = arith.constant 0 : i32
      %dma_start3A_147 = tpu.memref_slice %arg3[%dma_start3A_146, %multiple_of3A] : memref<50x4096xi32, #tpu.memory_space<hbm>> -> memref<50x128xi32, #tpu.memory_space<hbm>>
      %dma_start3A_148 = arith.constant 0 : i32
      %dma_start3A_149 = tpu.memref_slice %arg3[%dma_start3A_148, %multiple_of3A] : memref<50x4096xi32, #tpu.memory_space<hbm>> -> memref<50x128xi32, #tpu.memory_space<hbm>>
      tpu.enqueue_dma source(%dma_start3A_149 : memref<50x128xi32, #tpu.memory_space<hbm>>) target(%arg5 : memref<50x128xi32, #tpu.memory_space<vmem>>) target_semaphore(%run_scoped3A : memref<!tpu.dma_semaphore, #tpu.memory_space<semaphore_mem>>)
      %dma_wait3A_150 = arith.constant 0 : i32
      %dma_wait3A_151 = tpu.memref_slice %arg3[%dma_wait3A_150, %multiple_of3A] : memref<50x4096xi32, #tpu.memory_space<hbm>> -> memref<50x128xi32, #tpu.memory_space<hbm>>
      %dma_wait3A_152 = arith.constant 0 : i32
      %dma_wait3A_153 = tpu.memref_slice %arg3[%dma_wait3A_152, %multiple_of3A] : memref<50x4096xi32, #tpu.memory_space<hbm>> -> memref<50x128xi32, #tpu.memory_space<hbm>>
      tpu.wait_dma2 semaphore(%run_scoped3A : memref<!tpu.dma_semaphore, #tpu.memory_space<semaphore_mem>>) src(%dma_wait3A_153 : memref<50x128xi32, #tpu.memory_space<hbm>>) dst(%arg5 : memref<50x128xi32, #tpu.memory_space<vmem>>)
      tpu.yield
    }) : () -> ()
    %dma_start3A = arith.constant 0 : i32
    %dma_start3A_3 = arith.constant 0 : i32
    %dma_start3A_4 = tpu.memref_slice %arg5[%dma_start3A, %dma_start3A_3] : memref<50x128xi32, #tpu.memory_space<vmem>> -> memref<1x128xi32, #tpu.memory_space<vmem>>
    %dma_start3A_5 = tpu.memref_squeeze %dma_start3A_4 : memref<1x128xi32, #tpu.memory_space<vmem>> -> memref<128xi32, #tpu.memory_space<vmem>>
    %dma_start3A_6 = arith.constant 0 : i32
    %dma_start3A_7 = arith.constant 0 : i32
    %dma_start3A_8 = tpu.memref_slice %arg2[%dma_start3A_6, %dma_start3A_7] : memref<100001x128xf32, #tpu.memory_space<hbm>> -> memref<100001x128xf32, #tpu.memory_space<hbm>>
    tpu.enqueue_indirect_dma source(%dma_start3A_8 : memref<100001x128xf32, #tpu.memory_space<hbm>>) target(%arg6 : memref<128x128xf32, #tpu.memory_space<vmem>>) offsets(%dma_start3A_5 : memref<128xi32, #tpu.memory_space<vmem>>) semaphore(%arg11 : memref<!tpu.dma_semaphore, #tpu.memory_space<semaphore_mem>>)
    %dma_start3A_9 = arith.constant 1 : i32
    %dma_start3A_10 = arith.constant 0 : i32
    %dma_start3A_11 = tpu.memref_slice %arg5[%dma_start3A_9, %dma_start3A_10] : memref<50x128xi32, #tpu.memory_space<vmem>> -> memref<1x128xi32, #tpu.memory_space<vmem>>
    %dma_start3A_12 = tpu.memref_squeeze %dma_start3A_11 : memref<1x128xi32, #tpu.memory_space<vmem>> -> memref<128xi32, #tpu.memory_space<vmem>>
    %dma_start3A_13 = arith.constant 0 : i32
    %dma_start3A_14 = arith.constant 0 : i32
    %dma_start3A_15 = tpu.memref_slice %arg2[%dma_start3A_13, %dma_start3A_14] : memref<100001x128xf32, #tpu.memory_space<hbm>> -> memref<100001x128xf32, #tpu.memory_space<hbm>>
    tpu.enqueue_indirect_dma source(%dma_start3A_15 : memref<100001x128xf32, #tpu.memory_space<hbm>>) target(%arg7 : memref<128x128xf32, #tpu.memory_space<vmem>>) offsets(%dma_start3A_12 : memref<128xi32, #tpu.memory_space<vmem>>) semaphore(%arg12 : memref<!tpu.dma_semaphore, #tpu.memory_space<semaphore_mem>>)
    %dma_start3A_16 = arith.constant 2 : i32
    %dma_start3A_17 = arith.constant 0 : i32
    %dma_start3A_18 = tpu.memref_slice %arg5[%dma_start3A_16, %dma_start3A_17] : memref<50x128xi32, #tpu.memory_space<vmem>> -> memref<1x128xi32, #tpu.memory_space<vmem>>
    %dma_start3A_19 = tpu.memref_squeeze %dma_start3A_18 : memref<1x128xi32, #tpu.memory_space<vmem>> -> memref<128xi32, #tpu.memory_space<vmem>>
    %dma_start3A_20 = arith.constant 0 : i32
    %dma_start3A_21 = arith.constant 0 : i32
    %dma_start3A_22 = tpu.memref_slice %arg2[%dma_start3A_20, %dma_start3A_21] : memref<100001x128xf32, #tpu.memory_space<hbm>> -> memref<100001x128xf32, #tpu.memory_space<hbm>>
    tpu.enqueue_indirect_dma source(%dma_start3A_22 : memref<100001x128xf32, #tpu.memory_space<hbm>>) target(%arg8 : memref<128x128xf32, #tpu.memory_space<vmem>>) offsets(%dma_start3A_19 : memref<128xi32, #tpu.memory_space<vmem>>) semaphore(%arg13 : memref<!tpu.dma_semaphore, #tpu.memory_space<semaphore_mem>>)
    %dma_start3A_23 = arith.constant 3 : i32
    %dma_start3A_24 = arith.constant 0 : i32
    %dma_start3A_25 = tpu.memref_slice %arg5[%dma_start3A_23, %dma_start3A_24] : memref<50x128xi32, #tpu.memory_space<vmem>> -> memref<1x128xi32, #tpu.memory_space<vmem>>
    %dma_start3A_26 = tpu.memref_squeeze %dma_start3A_25 : memref<1x128xi32, #tpu.memory_space<vmem>> -> memref<128xi32, #tpu.memory_space<vmem>>
    %dma_start3A_27 = arith.constant 0 : i32
    %dma_start3A_28 = arith.constant 0 : i32
    %dma_start3A_29 = tpu.memref_slice %arg2[%dma_start3A_27, %dma_start3A_28] : memref<100001x128xf32, #tpu.memory_space<hbm>> -> memref<100001x128xf32, #tpu.memory_space<hbm>>
    tpu.enqueue_indirect_dma source(%dma_start3A_29 : memref<100001x128xf32, #tpu.memory_space<hbm>>) target(%arg9 : memref<128x128xf32, #tpu.memory_space<vmem>>) offsets(%dma_start3A_26 : memref<128xi32, #tpu.memory_space<vmem>>) semaphore(%arg14 : memref<!tpu.dma_semaphore, #tpu.memory_space<semaphore_mem>>)
    %dma_start3A_30 = arith.constant 4 : i32
    %dma_start3A_31 = arith.constant 0 : i32
    %dma_start3A_32 = tpu.memref_slice %arg5[%dma_start3A_30, %dma_start3A_31] : memref<50x128xi32, #tpu.memory_space<vmem>> -> memref<1x128xi32, #tpu.memory_space<vmem>>
    %dma_start3A_33 = tpu.memref_squeeze %dma_start3A_32 : memref<1x128xi32, #tpu.memory_space<vmem>> -> memref<128xi32, #tpu.memory_space<vmem>>
    %dma_start3A_34 = arith.constant 0 : i32
    %dma_start3A_35 = arith.constant 0 : i32
    %dma_start3A_36 = tpu.memref_slice %arg2[%dma_start3A_34, %dma_start3A_35] : memref<100001x128xf32, #tpu.memory_space<hbm>> -> memref<100001x128xf32, #tpu.memory_space<hbm>>
    tpu.enqueue_indirect_dma source(%dma_start3A_36 : memref<100001x128xf32, #tpu.memory_space<hbm>>) target(%arg10 : memref<128x128xf32, #tpu.memory_space<vmem>>) offsets(%dma_start3A_33 : memref<128xi32, #tpu.memory_space<vmem>>) semaphore(%arg15 : memref<!tpu.dma_semaphore, #tpu.memory_space<semaphore_mem>>)
    %scan3A = arith.constant 0 : i32
    %scan3A_37 = arith.constant 0 : i32
    %scan3A_38 = arith.constant 9 : i32
    %scan3A_39 = arith.addi %scan3A_37, %scan3A_38 : i32
    %scan3A_40 = arith.constant 1 : i32
    scf.for %scan3A_146 = %scan3A_37 to %scan3A_39 step %scan3A_40  : i32 {
      %mul3A_147 = arith.constant 5 : i32
      %mul3A_148 = arith.muli %mul3A_147, %scan3A_146 : i32
      %add3A_149 = arith.constant 0 : i32
      %add3A_150 = arith.addi %mul3A_148, %add3A_149 : i32
      %dma_wait3A_151 = arith.constant 0 : i32
      %dma_wait3A_152 = tpu.memref_slice %arg5[%add3A_150, %dma_wait3A_151] : memref<50x128xi32, #tpu.memory_space<vmem>> -> memref<1x128xi32, #tpu.memory_space<vmem>>
      %dma_wait3A_153 = tpu.memref_squeeze %dma_wait3A_152 : memref<1x128xi32, #tpu.memory_space<vmem>> -> memref<128xi32, #tpu.memory_space<vmem>>
      %dma_wait3A_154 = arith.constant 0 : i32
      %dma_wait3A_155 = arith.constant 0 : i32
      %dma_wait3A_156 = tpu.memref_slice %arg2[%dma_wait3A_154, %dma_wait3A_155] : memref<100001x128xf32, #tpu.memory_space<hbm>> -> memref<100001x128xf32, #tpu.memory_space<hbm>>
      tpu.wait_indirect_dma semaphore(%arg11 : memref<!tpu.dma_semaphore, #tpu.memory_space<semaphore_mem>>) src(%dma_wait3A_156 : memref<100001x128xf32, #tpu.memory_space<hbm>>) dst(%arg6 : memref<128x128xf32, #tpu.memory_space<vmem>>)
      %add3A_157 = arith.constant 0 : i32
      %add3A_158 = arith.addi %mul3A_148, %add3A_157 : i32
      %add3A_159 = arith.constant 5 : i32
      %add3A_160 = arith.addi %add3A_158, %add3A_159 : i32
      %dma_start3A_161 = arith.constant 0 : i32
      %dma_start3A_162 = tpu.memref_slice %arg5[%add3A_160, %dma_start3A_161] : memref<50x128xi32, #tpu.memory_space<vmem>> -> memref<1x128xi32, #tpu.memory_space<vmem>>
      %dma_start3A_163 = tpu.memref_squeeze %dma_start3A_162 : memref<1x128xi32, #tpu.memory_space<vmem>> -> memref<128xi32, #tpu.memory_space<vmem>>
      %dma_start3A_164 = arith.constant 0 : i32
      %dma_start3A_165 = arith.constant 0 : i32
      %dma_start3A_166 = tpu.memref_slice %arg2[%dma_start3A_164, %dma_start3A_165] : memref<100001x128xf32, #tpu.memory_space<hbm>> -> memref<100001x128xf32, #tpu.memory_space<hbm>>
      tpu.enqueue_indirect_dma source(%dma_start3A_166 : memref<100001x128xf32, #tpu.memory_space<hbm>>) target(%arg6 : memref<128x128xf32, #tpu.memory_space<vmem>>) offsets(%dma_start3A_163 : memref<128xi32, #tpu.memory_space<vmem>>) semaphore(%arg11 : memref<!tpu.dma_semaphore, #tpu.memory_space<semaphore_mem>>)
      %add3A_167 = arith.constant 1 : i32
      %add3A_168 = arith.addi %mul3A_148, %add3A_167 : i32
      %dma_wait3A_169 = arith.constant 0 : i32
      %dma_wait3A_170 = tpu.memref_slice %arg5[%add3A_168, %dma_wait3A_169] : memref<50x128xi32, #tpu.memory_space<vmem>> -> memref<1x128xi32, #tpu.memory_space<vmem>>
      %dma_wait3A_171 = tpu.memref_squeeze %dma_wait3A_170 : memref<1x128xi32, #tpu.memory_space<vmem>> -> memref<128xi32, #tpu.memory_space<vmem>>
      %dma_wait3A_172 = arith.constant 0 : i32
      %dma_wait3A_173 = arith.constant 0 : i32
      %dma_wait3A_174 = tpu.memref_slice %arg2[%dma_wait3A_172, %dma_wait3A_173] : memref<100001x128xf32, #tpu.memory_space<hbm>> -> memref<100001x128xf32, #tpu.memory_space<hbm>>
      tpu.wait_indirect_dma semaphore(%arg12 : memref<!tpu.dma_semaphore, #tpu.memory_space<semaphore_mem>>) src(%dma_wait3A_174 : memref<100001x128xf32, #tpu.memory_space<hbm>>) dst(%arg7 : memref<128x128xf32, #tpu.memory_space<vmem>>)
      %add3A_175 = arith.constant 1 : i32
      %add3A_176 = arith.addi %mul3A_148, %add3A_175 : i32
      %add3A_177 = arith.constant 5 : i32
      %add3A_178 = arith.addi %add3A_176, %add3A_177 : i32
      %dma_start3A_179 = arith.constant 0 : i32
      %dma_start3A_180 = tpu.memref_slice %arg5[%add3A_178, %dma_start3A_179] : memref<50x128xi32, #tpu.memory_space<vmem>> -> memref<1x128xi32, #tpu.memory_space<vmem>>
      %dma_start3A_181 = tpu.memref_squeeze %dma_start3A_180 : memref<1x128xi32, #tpu.memory_space<vmem>> -> memref<128xi32, #tpu.memory_space<vmem>>
      %dma_start3A_182 = arith.constant 0 : i32
      %dma_start3A_183 = arith.constant 0 : i32
      %dma_start3A_184 = tpu.memref_slice %arg2[%dma_start3A_182, %dma_start3A_183] : memref<100001x128xf32, #tpu.memory_space<hbm>> -> memref<100001x128xf32, #tpu.memory_space<hbm>>
      tpu.enqueue_indirect_dma source(%dma_start3A_184 : memref<100001x128xf32, #tpu.memory_space<hbm>>) target(%arg7 : memref<128x128xf32, #tpu.memory_space<vmem>>) offsets(%dma_start3A_181 : memref<128xi32, #tpu.memory_space<vmem>>) semaphore(%arg12 : memref<!tpu.dma_semaphore, #tpu.memory_space<semaphore_mem>>)
      %add3A_185 = arith.constant 2 : i32
      %add3A_186 = arith.addi %mul3A_148, %add3A_185 : i32
      %dma_wait3A_187 = arith.constant 0 : i32
      %dma_wait3A_188 = tpu.memref_slice %arg5[%add3A_186, %dma_wait3A_187] : memref<50x128xi32, #tpu.memory_space<vmem>> -> memref<1x128xi32, #tpu.memory_space<vmem>>
      %dma_wait3A_189 = tpu.memref_squeeze %dma_wait3A_188 : memref<1x128xi32, #tpu.memory_space<vmem>> -> memref<128xi32, #tpu.memory_space<vmem>>
      %dma_wait3A_190 = arith.constant 0 : i32
      %dma_wait3A_191 = arith.constant 0 : i32
      %dma_wait3A_192 = tpu.memref_slice %arg2[%dma_wait3A_190, %dma_wait3A_191] : memref<100001x128xf32, #tpu.memory_space<hbm>> -> memref<100001x128xf32, #tpu.memory_space<hbm>>
      tpu.wait_indirect_dma semaphore(%arg13 : memref<!tpu.dma_semaphore, #tpu.memory_space<semaphore_mem>>) src(%dma_wait3A_192 : memref<100001x128xf32, #tpu.memory_space<hbm>>) dst(%arg8 : memref<128x128xf32, #tpu.memory_space<vmem>>)
      %add3A_193 = arith.constant 2 : i32
      %add3A_194 = arith.addi %mul3A_148, %add3A_193 : i32
      %add3A_195 = arith.constant 5 : i32
      %add3A_196 = arith.addi %add3A_194, %add3A_195 : i32
      %dma_start3A_197 = arith.constant 0 : i32
      %dma_start3A_198 = tpu.memref_slice %arg5[%add3A_196, %dma_start3A_197] : memref<50x128xi32, #tpu.memory_space<vmem>> -> memref<1x128xi32, #tpu.memory_space<vmem>>
      %dma_start3A_199 = tpu.memref_squeeze %dma_start3A_198 : memref<1x128xi32, #tpu.memory_space<vmem>> -> memref<128xi32, #tpu.memory_space<vmem>>
      %dma_start3A_200 = arith.constant 0 : i32
      %dma_start3A_201 = arith.constant 0 : i32
      %dma_start3A_202 = tpu.memref_slice %arg2[%dma_start3A_200, %dma_start3A_201] : memref<100001x128xf32, #tpu.memory_space<hbm>> -> memref<100001x128xf32, #tpu.memory_space<hbm>>
      tpu.enqueue_indirect_dma source(%dma_start3A_202 : memref<100001x128xf32, #tpu.memory_space<hbm>>) target(%arg8 : memref<128x128xf32, #tpu.memory_space<vmem>>) offsets(%dma_start3A_199 : memref<128xi32, #tpu.memory_space<vmem>>) semaphore(%arg13 : memref<!tpu.dma_semaphore, #tpu.memory_space<semaphore_mem>>)
      %add3A_203 = arith.constant 3 : i32
      %add3A_204 = arith.addi %mul3A_148, %add3A_203 : i32
      %dma_wait3A_205 = arith.constant 0 : i32
      %dma_wait3A_206 = tpu.memref_slice %arg5[%add3A_204, %dma_wait3A_205] : memref<50x128xi32, #tpu.memory_space<vmem>> -> memref<1x128xi32, #tpu.memory_space<vmem>>
      %dma_wait3A_207 = tpu.memref_squeeze %dma_wait3A_206 : memref<1x128xi32, #tpu.memory_space<vmem>> -> memref<128xi32, #tpu.memory_space<vmem>>
      %dma_wait3A_208 = arith.constant 0 : i32
      %dma_wait3A_209 = arith.constant 0 : i32
      %dma_wait3A_210 = tpu.memref_slice %arg2[%dma_wait3A_208, %dma_wait3A_209] : memref<100001x128xf32, #tpu.memory_space<hbm>> -> memref<100001x128xf32, #tpu.memory_space<hbm>>
      tpu.wait_indirect_dma semaphore(%arg14 : memref<!tpu.dma_semaphore, #tpu.memory_space<semaphore_mem>>) src(%dma_wait3A_210 : memref<100001x128xf32, #tpu.memory_space<hbm>>) dst(%arg9 : memref<128x128xf32, #tpu.memory_space<vmem>>)
      %add3A_211 = arith.constant 3 : i32
      %add3A_212 = arith.addi %mul3A_148, %add3A_211 : i32
      %add3A_213 = arith.constant 5 : i32
      %add3A_214 = arith.addi %add3A_212, %add3A_213 : i32
      %dma_start3A_215 = arith.constant 0 : i32
      %dma_start3A_216 = tpu.memref_slice %arg5[%add3A_214, %dma_start3A_215] : memref<50x128xi32, #tpu.memory_space<vmem>> -> memref<1x128xi32, #tpu.memory_space<vmem>>
      %dma_start3A_217 = tpu.memref_squeeze %dma_start3A_216 : memref<1x128xi32, #tpu.memory_space<vmem>> -> memref<128xi32, #tpu.memory_space<vmem>>
      %dma_start3A_218 = arith.constant 0 : i32
      %dma_start3A_219 = arith.constant 0 : i32
      %dma_start3A_220 = tpu.memref_slice %arg2[%dma_start3A_218, %dma_start3A_219] : memref<100001x128xf32, #tpu.memory_space<hbm>> -> memref<100001x128xf32, #tpu.memory_space<hbm>>
      tpu.enqueue_indirect_dma source(%dma_start3A_220 : memref<100001x128xf32, #tpu.memory_space<hbm>>) target(%arg9 : memref<128x128xf32, #tpu.memory_space<vmem>>) offsets(%dma_start3A_217 : memref<128xi32, #tpu.memory_space<vmem>>) semaphore(%arg14 : memref<!tpu.dma_semaphore, #tpu.memory_space<semaphore_mem>>)
      %add3A_221 = arith.constant 4 : i32
      %add3A_222 = arith.addi %mul3A_148, %add3A_221 : i32
      %dma_wait3A_223 = arith.constant 0 : i32
      %dma_wait3A_224 = tpu.memref_slice %arg5[%add3A_222, %dma_wait3A_223] : memref<50x128xi32, #tpu.memory_space<vmem>> -> memref<1x128xi32, #tpu.memory_space<vmem>>
      %dma_wait3A_225 = tpu.memref_squeeze %dma_wait3A_224 : memref<1x128xi32, #tpu.memory_space<vmem>> -> memref<128xi32, #tpu.memory_space<vmem>>
      %dma_wait3A_226 = arith.constant 0 : i32
      %dma_wait3A_227 = arith.constant 0 : i32
      %dma_wait3A_228 = tpu.memref_slice %arg2[%dma_wait3A_226, %dma_wait3A_227] : memref<100001x128xf32, #tpu.memory_space<hbm>> -> memref<100001x128xf32, #tpu.memory_space<hbm>>
      tpu.wait_indirect_dma semaphore(%arg15 : memref<!tpu.dma_semaphore, #tpu.memory_space<semaphore_mem>>) src(%dma_wait3A_228 : memref<100001x128xf32, #tpu.memory_space<hbm>>) dst(%arg10 : memref<128x128xf32, #tpu.memory_space<vmem>>)
      %add3A_229 = arith.constant 4 : i32
      %add3A_230 = arith.addi %mul3A_148, %add3A_229 : i32
      %add3A_231 = arith.constant 5 : i32
      %add3A_232 = arith.addi %add3A_230, %add3A_231 : i32
      %dma_start3A_233 = arith.constant 0 : i32
      %dma_start3A_234 = tpu.memref_slice %arg5[%add3A_232, %dma_start3A_233] : memref<50x128xi32, #tpu.memory_space<vmem>> -> memref<1x128xi32, #tpu.memory_space<vmem>>
      %dma_start3A_235 = tpu.memref_squeeze %dma_start3A_234 : memref<1x128xi32, #tpu.memory_space<vmem>> -> memref<128xi32, #tpu.memory_space<vmem>>
      %dma_start3A_236 = arith.constant 0 : i32
      %dma_start3A_237 = arith.constant 0 : i32
      %dma_start3A_238 = tpu.memref_slice %arg2[%dma_start3A_236, %dma_start3A_237] : memref<100001x128xf32, #tpu.memory_space<hbm>> -> memref<100001x128xf32, #tpu.memory_space<hbm>>
      tpu.enqueue_indirect_dma source(%dma_start3A_238 : memref<100001x128xf32, #tpu.memory_space<hbm>>) target(%arg10 : memref<128x128xf32, #tpu.memory_space<vmem>>) offsets(%dma_start3A_235 : memref<128xi32, #tpu.memory_space<vmem>>) semaphore(%arg15 : memref<!tpu.dma_semaphore, #tpu.memory_space<semaphore_mem>>)
    }
    %scan3A_41 = arith.constant 9 : i32
    %dma_wait3A = arith.constant 45 : i32
    %dma_wait3A_42 = arith.constant 0 : i32
    %dma_wait3A_43 = tpu.memref_slice %arg5[%dma_wait3A, %dma_wait3A_42] : memref<50x128xi32, #tpu.memory_space<vmem>> -> memref<1x128xi32, #tpu.memory_space<vmem>>
    %dma_wait3A_44 = tpu.memref_squeeze %dma_wait3A_43 : memref<1x128xi32, #tpu.memory_space<vmem>> -> memref<128xi32, #tpu.memory_space<vmem>>
    %dma_wait3A_45 = arith.constant 0 : i32
    %dma_wait3A_46 = arith.constant 0 : i32
    %dma_wait3A_47 = tpu.memref_slice %arg2[%dma_wait3A_45, %dma_wait3A_46] : memref<100001x128xf32, #tpu.memory_space<hbm>> -> memref<100001x128xf32, #tpu.memory_space<hbm>>
    tpu.wait_indirect_dma semaphore(%arg11 : memref<!tpu.dma_semaphore, #tpu.memory_space<semaphore_mem>>) src(%dma_wait3A_47 : memref<100001x128xf32, #tpu.memory_space<hbm>>) dst(%arg6 : memref<128x128xf32, #tpu.memory_space<vmem>>)
    %dma_start3A_48 = arith.constant 45 : i32
    %dma_start3A_49 = arith.constant 0 : i32
    %dma_start3A_50 = tpu.memref_slice %arg4[%dma_start3A_48, %multiple_of3A, %dma_start3A_49] : memref<50x4096x128xf32, #tpu.memory_space<hbm>> -> memref<1x128x128xf32, #tpu.memory_space<hbm>>
    %dma_start3A_51 = tpu.memref_squeeze %dma_start3A_50 : memref<1x128x128xf32, #tpu.memory_space<hbm>> -> memref<128x128xf32, #tpu.memory_space<hbm>>
    %dma_start3A_52 = arith.constant 0 : i32
    %dma_start3A_53 = tpu.memref_slice %arg4[%dma_start3A_48, %multiple_of3A, %dma_start3A_52] : memref<50x4096x128xf32, #tpu.memory_space<hbm>> -> memref<1x128x128xf32, #tpu.memory_space<hbm>>
    %dma_start3A_54 = tpu.memref_squeeze %dma_start3A_53 : memref<1x128x128xf32, #tpu.memory_space<hbm>> -> memref<128x128xf32, #tpu.memory_space<hbm>>
    tpu.enqueue_dma source(%arg6 : memref<128x128xf32, #tpu.memory_space<vmem>>) target(%dma_start3A_54 : memref<128x128xf32, #tpu.memory_space<hbm>>) target_semaphore(%arg16 : memref<!tpu.dma_semaphore, #tpu.memory_space<semaphore_mem>>)
    %dma_wait3A_55 = arith.constant 46 : i32
    %dma_wait3A_56 = arith.constant 0 : i32
    %dma_wait3A_57 = tpu.memref_slice %arg5[%dma_wait3A_55, %dma_wait3A_56] : memref<50x128xi32, #tpu.memory_space<vmem>> -> memref<1x128xi32, #tpu.memory_space<vmem>>
    %dma_wait3A_58 = tpu.memref_squeeze %dma_wait3A_57 : memref<1x128xi32, #tpu.memory_space<vmem>> -> memref<128xi32, #tpu.memory_space<vmem>>
    %dma_wait3A_59 = arith.constant 0 : i32
    %dma_wait3A_60 = arith.constant 0 : i32
    %dma_wait3A_61 = tpu.memref_slice %arg2[%dma_wait3A_59, %dma_wait3A_60] : memref<100001x128xf32, #tpu.memory_space<hbm>> -> memref<100001x128xf32, #tpu.memory_space<hbm>>
    tpu.wait_indirect_dma semaphore(%arg12 : memref<!tpu.dma_semaphore, #tpu.memory_space<semaphore_mem>>) src(%dma_wait3A_61 : memref<100001x128xf32, #tpu.memory_space<hbm>>) dst(%arg7 : memref<128x128xf32, #tpu.memory_space<vmem>>)
    %dma_start3A_62 = arith.constant 46 : i32
    %dma_start3A_63 = arith.constant 0 : i32
    %dma_start3A_64 = tpu.memref_slice %arg4[%dma_start3A_62, %multiple_of3A, %dma_start3A_63] : memref<50x4096x128xf32, #tpu.memory_space<hbm>> -> memref<1x128x128xf32, #tpu.memory_space<hbm>>
    %dma_start3A_65 = tpu.memref_squeeze %dma_start3A_64 : memref<1x128x128xf32, #tpu.memory_space<hbm>> -> memref<128x128xf32, #tpu.memory_space<hbm>>
    %dma_start3A_66 = arith.constant 0 : i32
    %dma_start3A_67 = tpu.memref_slice %arg4[%dma_start3A_62, %multiple_of3A, %dma_start3A_66] : memref<50x4096x128xf32, #tpu.memory_space<hbm>> -> memref<1x128x128xf32, #tpu.memory_space<hbm>>
    %dma_start3A_68 = tpu.memref_squeeze %dma_start3A_67 : memref<1x128x128xf32, #tpu.memory_space<hbm>> -> memref<128x128xf32, #tpu.memory_space<hbm>>
    tpu.enqueue_dma source(%arg7 : memref<128x128xf32, #tpu.memory_space<vmem>>) target(%dma_start3A_68 : memref<128x128xf32, #tpu.memory_space<hbm>>) target_semaphore(%arg17 : memref<!tpu.dma_semaphore, #tpu.memory_space<semaphore_mem>>)
    %dma_wait3A_69 = arith.constant 47 : i32
    %dma_wait3A_70 = arith.constant 0 : i32
    %dma_wait3A_71 = tpu.memref_slice %arg5[%dma_wait3A_69, %dma_wait3A_70] : memref<50x128xi32, #tpu.memory_space<vmem>> -> memref<1x128xi32, #tpu.memory_space<vmem>>
    %dma_wait3A_72 = tpu.memref_squeeze %dma_wait3A_71 : memref<1x128xi32, #tpu.memory_space<vmem>> -> memref<128xi32, #tpu.memory_space<vmem>>
    %dma_wait3A_73 = arith.constant 0 : i32
    %dma_wait3A_74 = arith.constant 0 : i32
    %dma_wait3A_75 = tpu.memref_slice %arg2[%dma_wait3A_73, %dma_wait3A_74] : memref<100001x128xf32, #tpu.memory_space<hbm>> -> memref<100001x128xf32, #tpu.memory_space<hbm>>
    tpu.wait_indirect_dma semaphore(%arg13 : memref<!tpu.dma_semaphore, #tpu.memory_space<semaphore_mem>>) src(%dma_wait3A_75 : memref<100001x128xf32, #tpu.memory_space<hbm>>) dst(%arg8 : memref<128x128xf32, #tpu.memory_space<vmem>>)
    %dma_start3A_76 = arith.constant 47 : i32
    %dma_start3A_77 = arith.constant 0 : i32
    %dma_start3A_78 = tpu.memref_slice %arg4[%dma_start3A_76, %multiple_of3A, %dma_start3A_77] : memref<50x4096x128xf32, #tpu.memory_space<hbm>> -> memref<1x128x128xf32, #tpu.memory_space<hbm>>
    %dma_start3A_79 = tpu.memref_squeeze %dma_start3A_78 : memref<1x128x128xf32, #tpu.memory_space<hbm>> -> memref<128x128xf32, #tpu.memory_space<hbm>>
    %dma_start3A_80 = arith.constant 0 : i32
    %dma_start3A_81 = tpu.memref_slice %arg4[%dma_start3A_76, %multiple_of3A, %dma_start3A_80] : memref<50x4096x128xf32, #tpu.memory_space<hbm>> -> memref<1x128x128xf32, #tpu.memory_space<hbm>>
    %dma_start3A_82 = tpu.memref_squeeze %dma_start3A_81 : memref<1x128x128xf32, #tpu.memory_space<hbm>> -> memref<128x128xf32, #tpu.memory_space<hbm>>
    tpu.enqueue_dma source(%arg8 : memref<128x128xf32, #tpu.memory_space<vmem>>) target(%dma_start3A_82 : memref<128x128xf32, #tpu.memory_space<hbm>>) target_semaphore(%arg18 : memref<!tpu.dma_semaphore, #tpu.memory_space<semaphore_mem>>)
    %dma_wait3A_83 = arith.constant 48 : i32
    %dma_wait3A_84 = arith.constant 0 : i32
    %dma_wait3A_85 = tpu.memref_slice %arg5[%dma_wait3A_83, %dma_wait3A_84] : memref<50x128xi32, #tpu.memory_space<vmem>> -> memref<1x128xi32, #tpu.memory_space<vmem>>
    %dma_wait3A_86 = tpu.memref_squeeze %dma_wait3A_85 : memref<1x128xi32, #tpu.memory_space<vmem>> -> memref<128xi32, #tpu.memory_space<vmem>>
    %dma_wait3A_87 = arith.constant 0 : i32
    %dma_wait3A_88 = arith.constant 0 : i32
    %dma_wait3A_89 = tpu.memref_slice %arg2[%dma_wait3A_87, %dma_wait3A_88] : memref<100001x128xf32, #tpu.memory_space<hbm>> -> memref<100001x128xf32, #tpu.memory_space<hbm>>
    tpu.wait_indirect_dma semaphore(%arg14 : memref<!tpu.dma_semaphore, #tpu.memory_space<semaphore_mem>>) src(%dma_wait3A_89 : memref<100001x128xf32, #tpu.memory_space<hbm>>) dst(%arg9 : memref<128x128xf32, #tpu.memory_space<vmem>>)
    %dma_start3A_90 = arith.constant 48 : i32
    %dma_start3A_91 = arith.constant 0 : i32
    %dma_start3A_92 = tpu.memref_slice %arg4[%dma_start3A_90, %multiple_of3A, %dma_start3A_91] : memref<50x4096x128xf32, #tpu.memory_space<hbm>> -> memref<1x128x128xf32, #tpu.memory_space<hbm>>
    %dma_start3A_93 = tpu.memref_squeeze %dma_start3A_92 : memref<1x128x128xf32, #tpu.memory_space<hbm>> -> memref<128x128xf32, #tpu.memory_space<hbm>>
    %dma_start3A_94 = arith.constant 0 : i32
    %dma_start3A_95 = tpu.memref_slice %arg4[%dma_start3A_90, %multiple_of3A, %dma_start3A_94] : memref<50x4096x128xf32, #tpu.memory_space<hbm>> -> memref<1x128x128xf32, #tpu.memory_space<hbm>>
    %dma_start3A_96 = tpu.memref_squeeze %dma_start3A_95 : memref<1x128x128xf32, #tpu.memory_space<hbm>> -> memref<128x128xf32, #tpu.memory_space<hbm>>
    tpu.enqueue_dma source(%arg9 : memref<128x128xf32, #tpu.memory_space<vmem>>) target(%dma_start3A_96 : memref<128x128xf32, #tpu.memory_space<hbm>>) target_semaphore(%arg19 : memref<!tpu.dma_semaphore, #tpu.memory_space<semaphore_mem>>)
    %dma_wait3A_97 = arith.constant 49 : i32
    %dma_wait3A_98 = arith.constant 0 : i32
    %dma_wait3A_99 = tpu.memref_slice %arg5[%dma_wait3A_97, %dma_wait3A_98] : memref<50x128xi32, #tpu.memory_space<vmem>> -> memref<1x128xi32, #tpu.memory_space<vmem>>
    %dma_wait3A_100 = tpu.memref_squeeze %dma_wait3A_99 : memref<1x128xi32, #tpu.memory_space<vmem>> -> memref<128xi32, #tpu.memory_space<vmem>>
    %dma_wait3A_101 = arith.constant 0 : i32
    %dma_wait3A_102 = arith.constant 0 : i32
    %dma_wait3A_103 = tpu.memref_slice %arg2[%dma_wait3A_101, %dma_wait3A_102] : memref<100001x128xf32, #tpu.memory_space<hbm>> -> memref<100001x128xf32, #tpu.memory_space<hbm>>
    tpu.wait_indirect_dma semaphore(%arg15 : memref<!tpu.dma_semaphore, #tpu.memory_space<semaphore_mem>>) src(%dma_wait3A_103 : memref<100001x128xf32, #tpu.memory_space<hbm>>) dst(%arg10 : memref<128x128xf32, #tpu.memory_space<vmem>>)
    %dma_start3A_104 = arith.constant 49 : i32
    %dma_start3A_105 = arith.constant 0 : i32
    %dma_start3A_106 = tpu.memref_slice %arg4[%dma_start3A_104, %multiple_of3A, %dma_start3A_105] : memref<50x4096x128xf32, #tpu.memory_space<hbm>> -> memref<1x128x128xf32, #tpu.memory_space<hbm>>
    %dma_start3A_107 = tpu.memref_squeeze %dma_start3A_106 : memref<1x128x128xf32, #tpu.memory_space<hbm>> -> memref<128x128xf32, #tpu.memory_space<hbm>>
    %dma_start3A_108 = arith.constant 0 : i32
    %dma_start3A_109 = tpu.memref_slice %arg4[%dma_start3A_104, %multiple_of3A, %dma_start3A_108] : memref<50x4096x128xf32, #tpu.memory_space<hbm>> -> memref<1x128x128xf32, #tpu.memory_space<hbm>>
    %dma_start3A_110 = tpu.memref_squeeze %dma_start3A_109 : memref<1x128x128xf32, #tpu.memory_space<hbm>> -> memref<128x128xf32, #tpu.memory_space<hbm>>
    tpu.enqueue_dma source(%arg10 : memref<128x128xf32, #tpu.memory_space<vmem>>) target(%dma_start3A_110 : memref<128x128xf32, #tpu.memory_space<hbm>>) target_semaphore(%arg20 : memref<!tpu.dma_semaphore, #tpu.memory_space<semaphore_mem>>)
    %dma_wait3A_111 = arith.constant 45 : i32
    %dma_wait3A_112 = arith.constant 0 : i32
    %dma_wait3A_113 = tpu.memref_slice %arg4[%dma_wait3A_111, %multiple_of3A, %dma_wait3A_112] : memref<50x4096x128xf32, #tpu.memory_space<hbm>> -> memref<1x128x128xf32, #tpu.memory_space<hbm>>
    %dma_wait3A_114 = tpu.memref_squeeze %dma_wait3A_113 : memref<1x128x128xf32, #tpu.memory_space<hbm>> -> memref<128x128xf32, #tpu.memory_space<hbm>>
    %dma_wait3A_115 = arith.constant 0 : i32
    %dma_wait3A_116 = tpu.memref_slice %arg4[%dma_wait3A_111, %multiple_of3A, %dma_wait3A_115] : memref<50x4096x128xf32, #tpu.memory_space<hbm>> -> memref<1x128x128xf32, #tpu.memory_space<hbm>>
    %dma_wait3A_117 = tpu.memref_squeeze %dma_wait3A_116 : memref<1x128x128xf32, #tpu.memory_space<hbm>> -> memref<128x128xf32, #tpu.memory_space<hbm>>
    tpu.wait_dma2 semaphore(%arg16 : memref<!tpu.dma_semaphore, #tpu.memory_space<semaphore_mem>>) src(%arg6 : memref<128x128xf32, #tpu.memory_space<vmem>>) dst(%dma_wait3A_117 : memref<128x128xf32, #tpu.memory_space<hbm>>)
    %dma_wait3A_118 = arith.constant 46 : i32
    %dma_wait3A_119 = arith.constant 0 : i32
    %dma_wait3A_120 = tpu.memref_slice %arg4[%dma_wait3A_118, %multiple_of3A, %dma_wait3A_119] : memref<50x4096x128xf32, #tpu.memory_space<hbm>> -> memref<1x128x128xf32, #tpu.memory_space<hbm>>
    %dma_wait3A_121 = tpu.memref_squeeze %dma_wait3A_120 : memref<1x128x128xf32, #tpu.memory_space<hbm>> -> memref<128x128xf32, #tpu.memory_space<hbm>>
    %dma_wait3A_122 = arith.constant 0 : i32
    %dma_wait3A_123 = tpu.memref_slice %arg4[%dma_wait3A_118, %multiple_of3A, %dma_wait3A_122] : memref<50x4096x128xf32, #tpu.memory_space<hbm>> -> memref<1x128x128xf32, #tpu.memory_space<hbm>>
    %dma_wait3A_124 = tpu.memref_squeeze %dma_wait3A_123 : memref<1x128x128xf32, #tpu.memory_space<hbm>> -> memref<128x128xf32, #tpu.memory_space<hbm>>
    tpu.wait_dma2 semaphore(%arg17 : memref<!tpu.dma_semaphore, #tpu.memory_space<semaphore_mem>>) src(%arg7 : memref<128x128xf32, #tpu.memory_space<vmem>>) dst(%dma_wait3A_124 : memref<128x128xf32, #tpu.memory_space<hbm>>)
    %dma_wait3A_125 = arith.constant 47 : i32
    %dma_wait3A_126 = arith.constant 0 : i32
    %dma_wait3A_127 = tpu.memref_slice %arg4[%dma_wait3A_125, %multiple_of3A, %dma_wait3A_126] : memref<50x4096x128xf32, #tpu.memory_space<hbm>> -> memref<1x128x128xf32, #tpu.memory_space<hbm>>
    %dma_wait3A_128 = tpu.memref_squeeze %dma_wait3A_127 : memref<1x128x128xf32, #tpu.memory_space<hbm>> -> memref<128x128xf32, #tpu.memory_space<hbm>>
    %dma_wait3A_129 = arith.constant 0 : i32
    %dma_wait3A_130 = tpu.memref_slice %arg4[%dma_wait3A_125, %multiple_of3A, %dma_wait3A_129] : memref<50x4096x128xf32, #tpu.memory_space<hbm>> -> memref<1x128x128xf32, #tpu.memory_space<hbm>>
    %dma_wait3A_131 = tpu.memref_squeeze %dma_wait3A_130 : memref<1x128x128xf32, #tpu.memory_space<hbm>> -> memref<128x128xf32, #tpu.memory_space<hbm>>
    tpu.wait_dma2 semaphore(%arg18 : memref<!tpu.dma_semaphore, #tpu.memory_space<semaphore_mem>>) src(%arg8 : memref<128x128xf32, #tpu.memory_space<vmem>>) dst(%dma_wait3A_131 : memref<128x128xf32, #tpu.memory_space<hbm>>)
    %dma_wait3A_132 = arith.constant 48 : i32
    %dma_wait3A_133 = arith.constant 0 : i32
    %dma_wait3A_134 = tpu.memref_slice %arg4[%dma_wait3A_132, %multiple_of3A, %dma_wait3A_133] : memref<50x4096x128xf32, #tpu.memory_space<hbm>> -> memref<1x128x128xf32, #tpu.memory_space<hbm>>
    %dma_wait3A_135 = tpu.memref_squeeze %dma_wait3A_134 : memref<1x128x128xf32, #tpu.memory_space<hbm>> -> memref<128x128xf32, #tpu.memory_space<hbm>>
    %dma_wait3A_136 = arith.constant 0 : i32
    %dma_wait3A_137 = tpu.memref_slice %arg4[%dma_wait3A_132, %multiple_of3A, %dma_wait3A_136] : memref<50x4096x128xf32, #tpu.memory_space<hbm>> -> memref<1x128x128xf32, #tpu.memory_space<hbm>>
    %dma_wait3A_138 = tpu.memref_squeeze %dma_wait3A_137 : memref<1x128x128xf32, #tpu.memory_space<hbm>> -> memref<128x128xf32, #tpu.memory_space<hbm>>
    tpu.wait_dma2 semaphore(%arg19 : memref<!tpu.dma_semaphore, #tpu.memory_space<semaphore_mem>>) src(%arg9 : memref<128x128xf32, #tpu.memory_space<vmem>>) dst(%dma_wait3A_138 : memref<128x128xf32, #tpu.memory_space<hbm>>)
    %dma_wait3A_139 = arith.constant 49 : i32
    %dma_wait3A_140 = arith.constant 0 : i32
    %dma_wait3A_141 = tpu.memref_slice %arg4[%dma_wait3A_139, %multiple_of3A, %dma_wait3A_140] : memref<50x4096x128xf32, #tpu.memory_space<hbm>> -> memref<1x128x128xf32, #tpu.memory_space<hbm>>
    %dma_wait3A_142 = tpu.memref_squeeze %dma_wait3A_141 : memref<1x128x128xf32, #tpu.memory_space<hbm>> -> memref<128x128xf32, #tpu.memory_space<hbm>>
    %dma_wait3A_143 = arith.constant 0 : i32
    %dma_wait3A_144 = tpu.memref_slice %arg4[%dma_wait3A_139, %multiple_of3A, %dma_wait3A_143] : memref<50x4096x128xf32, #tpu.memory_space<hbm>> -> memref<1x128x128xf32, #tpu.memory_space<hbm>>
    %dma_wait3A_145 = tpu.memref_squeeze %dma_wait3A_144 : memref<1x128x128xf32, #tpu.memory_space<hbm>> -> memref<128x128xf32, #tpu.memory_space<hbm>>
    tpu.wait_dma2 semaphore(%arg20 : memref<!tpu.dma_semaphore, #tpu.memory_space<semaphore_mem>>) src(%arg10 : memref<128x128xf32, #tpu.memory_space<vmem>>) dst(%dma_wait3A_145 : memref<128x128xf32, #tpu.memory_space<hbm>>)
    return
  }
}

</mosaic_0001>

<sc_bundles>
// kernel: kernel.3.cloned.1.call-start
scs
__scs_entry_jumppad:
0x0: {  	(pc) =	sbr.rel $0x88, $3  }
0x1: {  	(tag) =	ssettag $0x0;
	lr =	simm.s32 $0x1  }
0x2: {  	[smem:$0x3F9F] =	sst lr;
	_ =	strace $0xD0000000  }
0x3: {  	_ = 	snop  }
0x4: {  	_ = 	snop  }
0x5: {  	_ = 	snop  }
0x6: {  	_ = 	snop  }
0x7: {  	_ = 	snop  }
__scs_overlays_trampoline_lowered:
0x8: {  	[smem:$0x3FAE] =	sst s0  }
0x9: {  	[smem:$0x3FAF] =	sst s1  }
0xa: {  	[smem:$0x3FB0] =	sst s2  }
0xb: {  	[smem:$0x3FB1] =	sst s3  }
0xc: {  	[smem:$0x3FB2] =	sst s4  }
0xd: {  	[smem:$0x3FB3] =	sst s5  }
0xe: {  	[smem:$0x3FB4] =	sst s6  }
0xf: {  	[smem:$0x3FB5] =	sst s7  }
0x10: {  	[smem:$0x3FB6] =	sst s8  }
0x11: {  	[smem:$0x3FB7] =	sst s9;
	s0 =	simm.s32 @!p0 $0x0  }
0x12: {  	s1 =	sld [smem:$0x3F9D];
	s0 =	simm.s32 @p0 $0x1  }
0x13: {  	[smem:$0x3FB8] =	sst s0;
	s0 =	simm.s32 @!p1 $0x0  }
0x14: {  	s2 =	sld [smem:$0x3F9C];
	s0 =	simm.s32 @p1 $0x1  }
0x15: {  	[smem:$0x3FB9] =	sst s0;
	s0 =	simm.s32 @!p2 $0x0  }
0x16: {  	s3 =	sld [smem:$0x3FDB];
	s0 =	simm.s32 @p2 $0x1  }
0x17: {  	s4 =	simm.s32 $0x1BF5;
	[smem:$0x3FBB] =	sst s0  }
0x18: {  	s0 =	sld [smem:$0x3F9E];
	_ =	swait.ge [sflag:s4], $0x0  }
0x19: {  	s7 =	sld [smem:$0x3F9F]  }
0x1a: {  	s8 =	sadd.s32 $0xFFFFE003, lr  }
0x1b: {  	s9 =	sadd.s32 $0xFFFFFEF7, lr;
	s5 =	simm.s32 $0xFFFFFFFF;
	p2 =	slt.u32 s8, $0xFFFFF086  }
0x1c: {  	p1 =	slt.u32 s9, $0xF7A;
	s5 =	simm.s32 @!p2 $0x0  }
0x1d: {  	s5 =	simm.s32 @p1 $0x1;
	p0 =	seq.s32 s7, s2  }
0x1e: {  	s7 =	smul.u32 @!p0 $0xF7A, s2;
	p2 =	seq.s32 @!p0 s5, $0x0  }
0x1f: {  	s9 =	smul.u32 $0xF7A, s1;
	s8 =	simm.s32 @!p0 $0x1BF5;
	p2 =	por !p2, p0  }
0x20: {  	[sflag:s8] =	ssyncset.s32 @!p0 $0xFFFFF086;
	s6 =	sadd.s32 @!p0 s3, s7;
	s7 =	simm.s32 @!p0 $0x108  }
0x21: {  	s3 =	sadd.s32 s3, s9;
	s6 =	sadd.s32 @!p0 $0x88, s6;
	s7 =	simm.s32 @p2 $0x1082  }
0x22: {  	[simem:s7], [sflag:s8] =	dma.local @!p0 [hbm:s6], $0xF7A  }
0x23: {  	s9 =	sor.u32 $0xD0000000, s2;
	s6 =	simm.s32 $0x108;
	_ =	swait.ge @!p0 [sflag:s8], $0x0  }
0x24: {  	s3 =	sadd.s32 $0x88, s3;
	s6 =	simm.s32 @!p1 $0x1082;
	[sflag:s4] =	ssyncset.s32 $0xFFFFF086  }
0x25: {  	[simem:s6], [sflag:s4] =	dma.local [hbm:s3], $0xF7A  }
0x26: {  	[smem:$0x3F9F] =	sst s1;
	(tag) =	ssettag s2;
	_ =	strace s9  }
0x27: {  	s1 =	sld [smem:$0x3FAF]  }
0x28: {  	s2 =	sld [smem:$0x3FB0]  }
0x29: {  	s4 =	sld [smem:$0x3FB2]  }
0x2a: {  	p0 =	seq.s32 s5, $0x0;
	s5 =	sld [smem:$0x3FB3]  }
0x2b: {  	s6 =	sld [smem:$0x3FB4]  }
0x2c: {  	s7 =	sld [smem:$0x3FB5]  }
0x2d: {  	s3 =	simm.s32 $0x108;
	s8 =	sld [smem:$0x3FB6]  }
0x2e: {  	s3 =	simm.s32 @!p0 $0x1082;
	s9 =	sld [smem:$0x3FB7]  }
0x2f: {  	lr =	sadd.s32 s0, s3;
	s0 =	sld [smem:$0x3FAE]  }
0x30: {  	s3 =	sld [smem:$0x3FB1]  }
0x31: {  	[smem:$0x3FBA] =	sst s10  }
0x32: {  	s10 =	sld [smem:$0x3FB8];
	_ =	sdelay $0x3  }
0x33: {  	p0 =	seq.s32 s10, $0x1;
	s10 =	sld [smem:$0x3FBA];
	_ =	sdelay $0x3  }
0x34: {  	[smem:$0x3FBA] =	sst s10  }
0x35: {  	s10 =	sld [smem:$0x3FB9];
	_ =	sdelay $0x3  }
0x36: {  	p1 =	seq.s32 s10, $0x1;
	s10 =	sld [smem:$0x3FBA];
	_ =	sdelay $0x3  }
0x37: {  	[smem:$0x3FBA] =	sst s10  }
0x38: {  	s10 =	sld [smem:$0x3FBB]  }
0x39: {  	_ = 	snop;
	(pc) =	sbr.ind lr, $3  }
0x3a: {  	_ = 	snop  }
0x3b: {  	_ = 	snop  }
0x3c: {  	p2 =	seq.s32 s10, $0x1;
	s10 =	sld [smem:$0x3FBA]  }
0x3d: {  	_ =	shalt  }
0x3e: {  	_ =	shalt  }
0x3f: {  	_ =	shalt  }
0x40: {  	_ =	shalt  }
0x41: {  	_ =	shalt  }
0x42: {  	_ =	shalt  }
0x43: {  	_ =	shalt  }
0x44: {  	_ =	shalt  }
0x45: {  	_ =	shalt  }
0x46: {  	_ =	shalt  }
0x47: {  	_ =	shalt  }
0x48: {  	_ =	shalt  }
0x49: {  	_ =	shalt  }
0x4a: {  	_ =	shalt  }
0x4b: {  	_ =	shalt  }
0x4c: {  	_ =	shalt  }
0x4d: {  	_ =	shalt  }
0x4e: {  	_ =	shalt  }
0x4f: {  	_ =	shalt  }
0x50: {  	_ =	shalt  }
0x51: {  	_ =	shalt  }
0x52: {  	_ =	shalt  }
0x53: {  	_ =	shalt  }
0x54: {  	_ =	shalt  }
0x55: {  	_ =	shalt  }
0x56: {  	_ =	shalt  }
0x57: {  	_ =	shalt  }
0x58: {  	_ =	shalt  }
0x59: {  	_ =	shalt  }
0x5a: {  	_ =	shalt  }
0x5b: {  	_ =	shalt  }
0x5c: {  	_ =	shalt  }
0x5d: {  	_ =	shalt  }
0x5e: {  	_ =	shalt  }
0x5f: {  	_ =	shalt  }
0x60: {  	_ =	shalt  }
0x61: {  	_ =	shalt  }
0x62: {  	_ =	shalt  }
0x63: {  	_ =	shalt  }
0x64: {  	_ =	shalt  }
0x65: {  	_ =	shalt  }
0x66: {  	_ =	shalt  }
0x67: {  	_ =	shalt  }
0x68: {  	_ =	shalt  }
0x69: {  	_ =	shalt  }
0x6a: {  	_ =	shalt  }
0x6b: {  	_ =	shalt  }
0x6c: {  	_ =	shalt  }
0x6d: {  	_ =	shalt  }
0x6e: {  	_ =	shalt  }
0x6f: {  	_ =	shalt  }
0x70: {  	_ =	shalt  }
0x71: {  	_ =	shalt  }
0x72: {  	_ =	shalt  }
0x73: {  	_ =	shalt  }
0x74: {  	_ =	shalt  }
0x75: {  	_ =	shalt  }
0x76: {  	_ =	shalt  }
0x77: {  	_ =	shalt  }
0x78: {  	_ =	shalt  }
0x79: {  	_ =	shalt  }
0x7a: {  	_ =	shalt  }
0x7b: {  	_ =	shalt  }
0x7c: {  	_ =	shalt  }
0x7d: {  	_ =	shalt  }
0x7e: {  	_ =	shalt  }
0x7f: {  	_ =	shalt  }
0x80: {  	_ =	shalt  }
0x81: {  	_ =	shalt  }
0x82: {  	_ =	shalt  }
0x83: {  	_ =	shalt  }
0x84: {  	_ =	shalt  }
0x85: {  	_ =	shalt  }
0x86: {  	_ =	shalt  }
0x87: {  	_ =	shalt  }
.Lfunc_end0:
.L_simem_size_0:
called_computation_lowered:
.L_overlay_start_0:
0x88: {  	s2 =	sld [smem:$0x3FD9]  }
0x89: {  	s3 =	sld [smem:$0x3FFE];
	_ =	sdelay $0x1  }
0x8a: {  	s1 =	srdreg.scid  }
0x8b: {  	s0 =	sand.u32 $0x1, s1  }
0x8c: {  	s18 =	sshll.u32 s0, $0xA;
	s2 =	sadd.s32 s3, s2  }
0x8d: {  	s2 =	sadd.s32 s2, s18  }
0x8e: {  	[smem:$0x3FC6] =	sst s2  }
0x8f: {  	_ = 	snop  }
0x90: {  	s2 =	sld [smem:$0x3FC9]  }
0x91: {  	s19 =	sld [smem:$0x3FC8]  }
0x92: {  	s4 =	sld [smem:$0x3FD0];
	(tm) =	ssettm $0x1  }
0x93: {  	s5 =	sld [smem:$0x3FFB];
	_ =	sdelay $0x3  }
0x94: {  	_ =	strace s5  }
0x95: {  	s5 =	sld [smem:$0x3FFC];
	_ =	sdelay $0x3  }
0x96: {  	_ =	strace s5  }
0x97: {  	s5 =	sld [smem:$0x3FFD];
	_ =	sdelay $0x3  }
0x98: {  	_ =	strace s5  }
0x99: {  	_ =	strace $0x8FFFFFFF  }
0x9a: {  	s20 =	sld [smem:$0x3FDB];
	_ =	sdelay $0x1  }
0x9b: {  	s6 =	simm.s32 $_scs_section_size  }
0x9c: {  	s7 =	simm.s32 $_size__tile_overlayer_lowered;
	s8 =	simm.s32 $_tile_overlayer_lowered  }
0x9d: {  	s23 =	simm.s32 $0x1BFF;
	s22 =	sshll.u32 s8, $0x1;
	s5 =	sadd.s32 s6, s20  }
0x9e: {  	s9 =	simm.s32 $0x0;
	s21 =	sshll.u32 s7, $0x1;
	s7 =	sadd.s32 s22, s5  }
0x9f: {  	[timem:s9], [sflag:s23] =	dma.local [hbm:s7], s21  }
0xa0: {  	_ =	swait.ge [sflag:s23], s21  }
0xa1: {  	s6 =	ssub.s32 $0x0, s21;
	[sflag:s23] =	ssyncset.done $0x0  }
0xa2: {  	[sflag:s23] =	ssyncadd.s32 s6;
	_ =	sdelay $0x1  }
0xa3: {  	s24 =	simm.s32 $0x1B8B  }
0xa4: {  	_ =	swait.ge [sflag:s24], $0x1  }
0xa5: {  	[sflag:s24] =	ssyncset.done $0x0  }
0xa6: {  	s25 =	simm.s32 $0x1B8E;
	[sflag:s24] =	ssyncadd.s32 $0xFFFFFFFF  }
0xa7: {  	s26 =	simm.s32 $execute0_lowered;
	[smem:$0x3FD2] =	sst s25  }
0xa8: {  	s6 =	sshll.u32 s26, $0x1;
	_ =	strace $0x80000046;
	[dreg:$0x1] =	wrdreg $0xFFFFFFFF  }
0xa9: {  	s28 =	simm.s32 $_size_execute0_lowered;
	s5 =	sadd.s32 s5, s6;
	[dreg:$0x0] =	wrdreg $0x0  }
0xaa: {  	s6 =	sshll.u32 s28, $0x1;
	[dreg:$0x2] =	wrdreg s5  }
0xab: {  	[dreg:$0x3] =	wrdreg s6  }
0xac: {  	[dreg:$0x4] =	wrdreg $0xC0  }
0xad: {  	_ =	task [dreg:s9], $0x5FFFF  }
0xae: {  	[dreg:$0x1] =	wrdreg $0xFFFFFFFF  }
0xaf: {  	[dreg:$0x0] =	wrdreg $0x60  }
0xb0: {  	[dreg:$0x2] =	wrdreg s19  }
0xb1: {  	[dreg:$0x3] =	wrdreg s2  }
0xb2: {  	[dreg:$0x4] =	wrdreg s4  }
0xb3: {  	[dreg:$0x5] =	wrdreg $0x9  }
0xb4: {  	_ =	task.clear_ibuf [dreg:s9], $0x6FFFF;
	_ =	strace $0x90000046  }
0xb5: {  	s29 =	simm.s32 $0x9;
	_ =	strace $0x80000048  }
0xb6: {  	_ =	swait.ge [sflag:s29], $0x1  }
0xb7: {  	[sflag:s29] =	ssyncadd.s32 $0xFFFFFFFF  }
0xb8: {  	_ =	strace $0x90000048  }
0xb9: {  	_ =	sfence  }
0xba: {  	s30 =	sld [smem:$0x0];
	_ =	sdelay $0x2  }
0xbb: {  	s31 =	sshll.u32 s1, $0xD;
	s1 =	sshrl.u32 s1, $0x2  }
0xbc: {  	s3 =	sand.u32 $0x4000, s31;
	s1 =	sadd.s32 s1, s30  }
0xbd: {  	s0 =	sor.u32 s3, s0;
	s1 =	sshll.u32 s1, $0x11  }
0xbe: {  	s0 =	sor.u32 s1, s0  }
0xbf: {  	s0 =	sadd.s32 $0x8F2B, s0  }
0xc0: {  	[sflag:s0] =	ssyncadd.remote.s32 $0x1  }
0xc1: {  	_ =	sfence.sel $0xFFFF  }
0xc2: {  	[dreg:$0x0] =	wrdreg $0xFFFFFFFF;
	(pc) =	sbr.abs _section_cstart, $3  }
0xc3: {  	[dreg:$0x1] =	wrdreg $0xFFFFFFFF  }
0xc4: {  	_ =	task.clear_ibuf [dreg:s9], $0x2FFFF;
	_ =	strace $0x9FFFFFFF  }
0xc5: {  	(tm) =	ssettm $0x7FFFFFFF  }
tec
execute0_lowered:
.L_overlay_start_1:
0x0: {  	(tag) =	ssettag $0x1  }
0x1: {  	s1 =	rddreg [dreg:$0x0]  }
0x2: {  	s0 =	rddreg [dreg:$0x1]  }
0x3: {  	s2 =	rddreg [dreg:$0x2];
	s4 =	srdreg.scid  }
0x4: {  	s3 =	simm.s32 $0x0;
	s5 =	stileid.u32;
	s15 =	simm.s32 $0xB  }
0x5: {  	s16 =	simm.s32 $0x80;
	s17 =	simm.s32 $0x1C00;
	s18 =	simm.s32 $0x5C00  }
0x6: {  	s20 =	simm.s32 $0x9C00;
	s22 =	simm.s32 $0xDC00;
	s24 =	simm.s32 $0x11C00  }
0x7: {  	s28 =	simm.s32 $0x3;
	s29 =	simm.s32 $0x4;
	s30 =	simm.s32 $0x5  }
0x8: {  	s31 =	simm.s32 $0x6;
	s12 =	simm.s32 $0x9;
	s13 =	simm.s32 $0xA  }
0x9: {  	s14 =	simm.s32 $0x0;
	s4 =	sand.u32 $0x1, s4;
	[smem:$0x7FF] =	sst s3  }
0xa: {  	s5 =	sshll.u32 s5, $0x8;
	s6 =	sshll.u32 s4, $0x7;
	s7 =	ssub.s32 $0x2, s4  }
0xb: {  	_ =	strace $0x80000047;
	s5 =	sor.u32 s6, s5;
	s25 =	sshrl.u32 s7, $0x1  }
0xc: {  	s4 =	sadd.s32 s0, s5;
	s26 =	sshll.u32 s5, $0x4;
	s11 =	ssub.s32 s7, s25  }
0xd: {  	s25 =	simm.s32 $0x1;
	s5 =	sadd.s32 $0x6000, s4;
	s0 =	sadd.s32 s26, s2  }
0xe: {  	s11 =	smax.u32 s11, $0x1;
	s26 =	simm.s32 $0x2;
	s2 =	simm.s32 $0x8  }
0xf: {  	s6 =	sadd.s32 $0x2D0000, s0;
	s7 =	sadd.s32 $0x2E0000, s0;
	s8 =	sadd.s32 $0x2F0000, s0  }
0x10: {  	s9 =	sadd.s32 $0x300000, s0;
	s10 =	sadd.s32 $0x310000, s0;
	s0 =	simm.s32 $0x7  }
.LBB2_1:
0x11: {  	s19 =	simm.s32 $0x400;
	s21 =	simm.s32 $0x8000  }
0x12: {  	[tilespmem:s3], [sflag:$0xB] =	stream.strided.gather [hbm4b:s4+s19], $0x1800, s21, s19, $0x38;
	[tilespmem:$0x15C00] =	vst v63  }
0x13: {  	s21 =	simm.s32 $0x1800  }
0x14: {  	[tilespmem:s21], [sflag:$0xB] =	stream.linear.gather [hbm4b:s5+s3], $0x100, $0x38;
	[tilespmem:$0x15C00] =	vst v63  }
0x15: {  	_ =	swait.ge [sflag:s15], $0x1900  }
0x16: {  	[sflag:s15] =	ssyncset.done $0x0  }
0x17: {  	[sflag:s15] =	ssyncadd.s32 $0xFFFFE700  }
0x18: {  	[tilespmem:s17], [sflag:$0x1] =	stream.indirect.gather [hbm4b:s1+s16], $0x80, s3, s16, $0xb8;
	[tilespmem:$0x15C00] =	vst v63  }
0x19: {  	_ = 	snop  }
0x1a: {  	[tilespmem:s18], [sflag:$0x2] =	stream.indirect.gather [hbm4b:s1+s16], $0x80, s16, s16, $0xb8;
	[tilespmem:$0x15C00] =	vst v63  }
0x1b: {  	s23 =	simm.s32 $0x100  }
0x1c: {  	[tilespmem:s20], [sflag:$0x3] =	stream.indirect.gather [hbm4b:s1+s16], $0x80, s23, s16, $0xb8;
	[tilespmem:$0x15C00] =	vst v63  }
0x1d: {  	s21 =	simm.s32 $0x180  }
0x1e: {  	[tilespmem:s22], [sflag:$0x4] =	stream.indirect.gather [hbm4b:s1+s16], $0x80, s21, s16, $0xb8;
	[tilespmem:$0x15C00] =	vst v63  }
0x1f: {  	s23 =	simm.s32 $0x200  }
0x20: {  	[tilespmem:s24], [sflag:$0x5] =	stream.indirect.gather [hbm4b:s1+s16], $0x80, s23, s16, $0xb8;
	[tilespmem:$0x15C00] =	vst v63  }
0x21: {  	_ =	swait.ge [sflag:s25], $0x4000  }
0x22: {  	[sflag:s25] =	ssyncset.done $0x0  }
0x23: {  	s21 =	simm.s32 $0x280;
	[sflag:s25] =	ssyncadd.s32 $0xFFFFC000  }
0x24: {  	[tilespmem:s17], [sflag:$0x1] =	stream.indirect.gather [hbm4b:s1+s16], $0x80, s21, s16, $0xb8;
	[tilespmem:$0x15C00] =	vst v63  }
0x25: {  	_ =	swait.ge [sflag:s26], $0x4000  }
0x26: {  	[sflag:s26] =	ssyncset.done $0x0  }
0x27: {  	s23 =	simm.s32 $0x300;
	[sflag:s26] =	ssyncadd.s32 $0xFFFFC000  }
0x28: {  	[tilespmem:s18], [sflag:$0x2] =	stream.indirect.gather [hbm4b:s1+s16], $0x80, s23, s16, $0xb8;
	[tilespmem:$0x15C00] =	vst v63  }
0x29: {  	_ =	swait.ge [sflag:s28], $0x4000  }
0x2a: {  	[sflag:s28] =	ssyncset.done $0x0  }
0x2b: {  	s21 =	simm.s32 $0x380;
	[sflag:s28] =	ssyncadd.s32 $0xFFFFC000  }
0x2c: {  	[tilespmem:s20], [sflag:$0x3] =	stream.indirect.gather [hbm4b:s1+s16], $0x80, s21, s16, $0xb8;
	[tilespmem:$0x15C00] =	vst v63  }
0x2d: {  	_ =	swait.ge [sflag:s29], $0x4000  }
0x2e: {  	[sflag:s29] =	ssyncset.done $0x0  }
0x2f: {  	s23 =	simm.s32 $0x400;
	[sflag:s29] =	ssyncadd.s32 $0xFFFFC000  }
0x30: {  	[tilespmem:s22], [sflag:$0x4] =	stream.indirect.gather [hbm4b:s1+s16], $0x80, s23, s16, $0xb8;
	[tilespmem:$0x15C00] =	vst v63  }
0x31: {  	_ =	swait.ge [sflag:s30], $0x4000  }
0x32: {  	[sflag:s30] =	ssyncset.done $0x0  }
0x33: {  	s19 =	simm.s32 $0xFFFFB000;
	s21 =	simm.s32 $0x480;
	[sflag:s30] =	ssyncadd.s32 $0xFFFFC000  }
.LBB2_2:
0x34: {  	[tilespmem:s24], [sflag:$0x5] =	stream.indirect.gather [hbm4b:s1+s16], $0x80, s21, s16, $0xb8;
	[tilespmem:$0x15C00] =	vst v63  }
0x35: {  	s21 =	smov.u32 s19  }
0x36: {  	p0 =	sne.s32 s19, $0xFFFFF600;
	s19 =	sadd.s32 $0xA00, s19;
	_ =	swait.ge [sflag:s25], $0x4000  }
0x37: {  	s21 =	sshra.s32 s21, $0x2;
	[sflag:s25] =	ssyncset.done $0x0  }
0x38: {  	s23 =	sadd.s32 $0x1900, s21;
	[sflag:s25] =	ssyncadd.s32 $0xFFFFC000  }
0x39: {  	[tilespmem:s17], [sflag:$0x1] =	stream.indirect.gather [hbm4b:s1+s16], $0x80, s23, s16, $0xb8;
	[tilespmem:$0x15C00] =	vst v63  }
0x3a: {  	_ =	swait.ge [sflag:s26], $0x4000  }
0x3b: {  	[sflag:s26] =	ssyncset.done $0x0  }
0x3c: {  	s23 =	sadd.s32 $0x1980, s21;
	[sflag:s26] =	ssyncadd.s32 $0xFFFFC000  }
0x3d: {  	[tilespmem:s18], [sflag:$0x2] =	stream.indirect.gather [hbm4b:s1+s16], $0x80, s23, s16, $0xb8;
	[tilespmem:$0x15C00] =	vst v63  }
0x3e: {  	_ =	swait.ge [sflag:s28], $0x4000  }
0x3f: {  	[sflag:s28] =	ssyncset.done $0x0  }
0x40: {  	s23 =	sadd.s32 $0x1A00, s21;
	[sflag:s28] =	ssyncadd.s32 $0xFFFFC000  }
0x41: {  	[tilespmem:s20], [sflag:$0x3] =	stream.indirect.gather [hbm4b:s1+s16], $0x80, s23, s16, $0xb8;
	[tilespmem:$0x15C00] =	vst v63  }
0x42: {  	_ =	swait.ge [sflag:s29], $0x4000  }
0x43: {  	[sflag:s29] =	ssyncset.done $0x0  }
.Ltmp0:
0x44: {  	s23 =	sadd.s32 $0x1A80, s21;
	[sflag:s29] =	ssyncadd.s32 $0xFFFFC000;
	(pc) =	sbr.rel @p0 .LBB2_2-.Ltmp0, $4  }
0x45: {  	[tilespmem:s22], [sflag:$0x4] =	stream.indirect.gather [hbm4b:s1+s16], $0x80, s23, s16, $0xb8;
	[tilespmem:$0x15C00] =	vst v63  }
0x46: {  	_ =	swait.ge [sflag:s30], $0x4000  }
0x47: {  	[sflag:s30] =	ssyncset.done $0x0  }
0x48: {  	s21 =	sadd.s32 $0x1B00, s21;
	[sflag:s30] =	ssyncadd.s32 $0xFFFFC000  }
0x49: {  	[tilespmem:s24], [sflag:$0x5] =	stream.indirect.gather [hbm4b:s1+s16], $0x80, s21, s16, $0xb8;
	[tilespmem:$0x15C00] =	vst v63  }
0x4a: {  	_ =	swait.ge [sflag:s25], $0x4000  }
0x4b: {  	[sflag:s25] =	ssyncset.done $0x0  }
0x4c: {  	[sflag:s25] =	ssyncadd.s32 $0xFFFFC000  }
0x4d: {  	[hbm4b:s6+s3] =	stream.linear.scatter [tilespmem:s17], [sflag:$0x6], $0x4000, $0x38;
	[tilespmem:$0x15C00] =	vst v63  }
0x4e: {  	_ =	swait.ge [sflag:s26], $0x4000  }
0x4f: {  	[sflag:s26] =	ssyncset.done $0x0  }
0x50: {  	[sflag:s26] =	ssyncadd.s32 $0xFFFFC000  }
0x51: {  	[hbm4b:s7+s3] =	stream.linear.scatter [tilespmem:s18], [sflag:$0x7], $0x4000, $0x38;
	[tilespmem:$0x15C00] =	vst v63  }
0x52: {  	_ =	swait.ge [sflag:s28], $0x4000  }
0x53: {  	[sflag:s28] =	ssyncset.done $0x0  }
0x54: {  	[sflag:s28] =	ssyncadd.s32 $0xFFFFC000  }
0x55: {  	[hbm4b:s8+s3] =	stream.linear.scatter [tilespmem:s20], [sflag:$0x8], $0x4000, $0x38;
	[tilespmem:$0x15C00] =	vst v63  }
0x56: {  	_ =	swait.ge [sflag:s29], $0x4000  }
0x57: {  	[sflag:s29] =	ssyncset.done $0x0  }
0x58: {  	[sflag:s29] =	ssyncadd.s32 $0xFFFFC000  }
0x59: {  	[hbm4b:s9+s3] =	stream.linear.scatter [tilespmem:s22], [sflag:$0x9], $0x4000, $0x38;
	[tilespmem:$0x15C00] =	vst v63  }
0x5a: {  	_ =	swait.ge [sflag:s30], $0x4000  }
0x5b: {  	[sflag:s30] =	ssyncset.done $0x0  }
0x5c: {  	[sflag:s30] =	ssyncadd.s32 $0xFFFFC000  }
0x5d: {  	[hbm4b:s10+s3] =	stream.linear.scatter [tilespmem:s24], [sflag:$0xA], $0x4000, $0x38;
	[tilespmem:$0x15C00] =	vst v63  }
0x5e: {  	_ =	swait.ge [sflag:s31], $0x4000  }
0x5f: {  	[sflag:s31] =	ssyncset.done $0x0  }
0x60: {  	[sflag:s31] =	ssyncadd.s32 $0xFFFFC000  }
0x61: {  	_ =	swait.ge [sflag:s0], $0x4000  }
0x62: {  	[sflag:s0] =	ssyncset.done $0x0  }
0x63: {  	[sflag:s0] =	ssyncadd.s32 $0xFFFFC000  }
0x64: {  	_ =	swait.ge [sflag:s2], $0x4000  }
0x65: {  	[sflag:s2] =	ssyncset.done $0x0  }
0x66: {  	s14 =	sadd.s32 $0x1, s14;
	[sflag:s2] =	ssyncadd.s32 $0xFFFFC000  }
0x67: {  	p0 =	sne.s32 s14, s11;
	_ =	swait.ge [sflag:s12], $0x4000  }
.Ltmp1:
0x68: {  	[sflag:s12] =	ssyncset.done $0x0;
	(pc) =	sbr.rel @p0 .LBB2_1-.Ltmp1, $4  }
0x69: {  	[sflag:s12] =	ssyncadd.s32 $0xFFFFC000  }
0x6a: {  	_ =	swait.ge [sflag:s13], $0x4000  }
0x6b: {  	[sflag:s13] =	ssyncset.done $0x0  }
0x6c: {  	[sflag:s13] =	ssyncadd.s32 $0xFFFFC000  }
0x6d: {  	_ =	sfence.sel $0x180000  }
0x6e: {  	[bflag:$0x0] =	sbarrier.arrive $0xFFFF  }
0x6f: {  	_ =	strace $0x90000047  }
0x70: {  	s0 =	stileid.u32;
	[bflag:$0x2] =	sbarrier.arrive $0xFFFF  }
0x71: {  	p0 =	sne.s32 s0, $0x0;
	s0 =	rddreg [dreg:$0x3]  }
0x72: {  	s0 =	sadd.s32 @!p0 $0x100000, s0  }
0x73: {  	[sflag:s0] =	ssyncadd.tile.s32 @!p0 $0x1;
	_ =	shalt  }
.Lfunc_end2:
_tile_overlayer_lowered:
.L_overlay_start_2:
0x74: {  	(tag) =	ssettag $0x2  }
0x75: {  	s0 =	rddreg [dreg:$0x0];
	s2 =	stileid.u32  }
0x76: {  	s1 =	rddreg [dreg:$0x1];
	p0 =	sne.s32 s2, $0x0  }
0x77: {  	s3 =	rddreg [dreg:$0x2];
	[bflag:$0x3] =	sbarrier.arrive $0xFFFF;
	s2 =	simm.s32 @!p0 $0x1C0B  }
0x78: {  	[timem:s3], [sflag:s2] =	dma.local @!p0 [hbm:s0], s1  }
0x79: {  	s0 =	simm.s32 @!p0 $0xB  }
0x7a: {  	_ =	swait.ge @!p0 [sflag:s0], s1  }
0x7b: {  	s1 =	ssub.s32 @!p0 $0x0, s1;
	[sflag:s0] =	ssyncset.done @!p0 $0x0  }
0x7c: {  	[sflag:s0] =	ssyncadd.s32 @!p0 s1  }
0x7d: {  	[bflag:$0x3] =	sbarrier.arrive $0xFFFF  }
0x7e: {  	_ =	shalt  }

</sc_bundles>
